<compile_context>
chip_gen: v7x
topology: tpu7x:2x2x1
jax: 0.10.2.dev20260603
libtpu: 0.0.44.dev20260713+nightly
codegen_flags: <defaults>
</compile_context>

<pallas_src>
import jax
import jax.numpy as jnp
from jax import lax
from jax.experimental import pallas as pl
from jax.experimental.pallas import tpu as pltpu
from jax.experimental.pallas import tpu_sc as plsc

TOPK = 5
KTHR = 26214
LANES = 16
IMGS_PER_STEP = 4
NEG = float("-inf")


def _image_kernel(x_ref, pk_ref):
    x = x_ref[...]
    T, H, W = x.shape
    col = lax.broadcasted_iota(jnp.int32, (T, H, W), 2)
    row = lax.broadcasted_iota(jnp.int32, (T, H, W), 1)

    def shift_cols(a, d):
        r = jnp.roll(a, -d, axis=2)
        valid = (col + d >= 0) & (col + d < W)
        return jnp.where(valid, r, NEG)

    def shift_rows(a, d):
        r = jnp.roll(a, -d, axis=1)
        valid = (row + d >= 0) & (row + d < H)
        return jnp.where(valid, r, NEG)

    m3 = jnp.maximum(jnp.maximum(shift_cols(x, -1), x), shift_cols(x, 1))
    m9 = jnp.maximum(jnp.maximum(shift_cols(m3, -3), m3), shift_cols(m3, 3))
    v3 = jnp.maximum(jnp.maximum(shift_rows(m9, -1), m9), shift_rows(m9, 1))
    lm = jnp.maximum(jnp.maximum(shift_rows(v3, -3), v3), shift_rows(v3, 3))

    peak = x == lm
    flat_idx = row * W + col
    masked = jnp.where(peak, x, NEG)

    big = jnp.int32(2**30)
    vals, idxs = [], []
    cur = masked
    for _ in range(TOPK):
        v = jnp.max(cur, axis=(1, 2))
        eq = cur == v[:, None, None]
        idx = jnp.min(jnp.where(eq, flat_idx, big), axis=(1, 2))
        vals.append(v)
        idxs.append(idx)
        cur = jnp.where(flat_idx == idx[:, None, None], NEG, cur)

    counts = [jnp.zeros((T,), jnp.int32)] + [
        jnp.sum((x >= v[:, None, None]).astype(jnp.int32), axis=(1, 2))
        for v in vals[1:]]

    pad = LANES - TOPK
    pv = jnp.concatenate(
        [jnp.stack(vals, axis=1), jnp.full((T, pad), NEG, jnp.float32)], 1)
    pi = jnp.concatenate(
        [jnp.stack(idxs, axis=1), jnp.zeros((T, pad), jnp.int32)], 1)
    pc = jnp.concatenate(
        [jnp.stack(counts, axis=1), jnp.full((T, pad), big, jnp.int32)], 1)
    pa = jnp.broadcast_to(0.5 * vals[0][:, None], (T, LANES))
    packed = jnp.concatenate(
        [pv, pi.astype(jnp.float32), pc.astype(jnp.float32), pa], axis=1)
    pk_ref[:, 0] = packed


def _select_kernel(pk_hbm, out_hbm, pk_v, out_v):
    c = lax.axis_index("c")
    s = lax.axis_index("s")

    @pl.when(c == 0)
    def _():
        pltpu.sync_copy(pk_hbm.at[s], pk_v)
        vals = pk_v[pl.ds(0, LANES)]
        idxs = pk_v[pl.ds(LANES, LANES)].astype(jnp.int32)
        counts = pk_v[pl.ds(2 * LANES, LANES)].astype(jnp.int32)
        adapt = pk_v[pl.ds(3 * LANES, LANES)]
        lane = lax.iota(jnp.int32, LANES)
        valid = (counts < KTHR) & (vals >= adapt) & (lane < TOPK)
        keep = valid | (lane == 0)
        fx = jnp.bitwise_and(idxs, 511).astype(jnp.float32)
        fy = lax.shift_right_logical(idxs, 9).astype(jnp.float32)
        out_v[pl.ds(0, LANES)] = jnp.where(keep, fx, -1.0)
        out_v[pl.ds(LANES, LANES)] = jnp.where(keep, fy, -1.0)
        out_v[pl.ds(2 * LANES, LANES)] = jnp.where(keep, 1.0, -1.0)
        pltpu.sync_copy(out_v, out_hbm.at[s])


def kernel(contrast_map):
    B, C, H, W = contrast_map.shape
    x = contrast_map.reshape(B, H, W)
    t = IMGS_PER_STEP
    pk = pl.pallas_call(
        _image_kernel,
        grid=(B // t,),
        in_specs=[pl.BlockSpec((t, H, W), lambda i: (i, 0, 0))],
        out_specs=[pl.BlockSpec((t, 1, 4 * LANES), lambda i: (i, 0, 0))],
        out_shape=[jax.ShapeDtypeStruct((B, 1, 4 * LANES), jnp.float32)],
    )(x)[0]

    mesh = plsc.VectorSubcoreMesh(
        core_axis_name="c", subcore_axis_name="s", num_cores=2,
        num_subcores=16)
    fsel = pl.kernel(
        _select_kernel,
        out_type=[jax.ShapeDtypeStruct((B, 3 * LANES), jnp.float32)],
        mesh=mesh,
        scratch_types=[
            pltpu.VMEM((4 * LANES,), jnp.float32),
            pltpu.VMEM((3 * LANES,), jnp.float32),
        ],
    )
    out = fsel(pk.reshape(B, 4 * LANES))[0]
    coords = jnp.stack(
        [out[:, 0:TOPK], out[:, LANES:LANES + TOPK]], axis=-1)
    labels = out[:, 2 * LANES:2 * LANES + TOPK]
    return coords, labels

# --- scband reference (transcript-rebuilt; emitter-appended) ---
"""Pipeline reference for scband-soft-top-kextractor-36335423324463 (READ-ONLY COPY).

The authoritative reference and input builder live on the scoring server;
editing this copy changes nothing except your own understanding.
"""

import jax, jax.numpy as jnp
import numpy as np

TOP_K = 5
MIN_DIST = 8
DYN_Q = 0.9
ADAPT_RATIO = 0.5


def setup_inputs(seed: int = 0) -> dict:
    key = jax.random.key(seed)
    contrast_map = jax.random.uniform(key, (16, 1, 512, 512), dtype=jnp.float32)
    return {"contrast_map": contrast_map}


def reference(contrast_map):
    B, _, H, W = contrast_map.shape
    k_size = max(3, MIN_DIST)
    if k_size % 2 == 0:
        k_size += 1
    pad = k_size // 2
    # NMS via max-pool (stride 1, same padding, pad value -inf like torch max_pool2d)
    local_max = jax.lax.reduce_window(
        contrast_map, -jnp.inf, jax.lax.max,
        (1, 1, k_size, k_size), (1, 1, 1, 1),
        [(0, 0), (0, 0), (pad, pad), (pad, pad)])
    flat = contrast_map.reshape(B, -1)
    n = flat.shape[1]
    k_thr = max(1, int((1.0 - DYN_Q) * n))
    vals_topk, _ = jax.lax.top_k(flat, k_thr)
    dyn_thr = vals_topk[:, -1].reshape(B, 1, 1, 1)
    is_peak = (contrast_map == local_max) & (contrast_map > dyn_thr)
    # top-k over peak values (non-peaks masked to -inf); equivalent to torch gather+topk
    masked = jnp.where(is_peak, contrast_map, -jnp.inf).reshape(B, -1)
    vals, idxs = jax.lax.top_k(masked, TOP_K)
    peak_valid = jnp.isfinite(vals)  # [B, K]
    has_peak = peak_valid[:, 0]
    # fallback: if no peaks at all, use global argmax with n_valid=1
    argmax_idx = jnp.argmax(flat, axis=1).astype(idxs.dtype)
    idx0 = jnp.where(has_peak, idxs[:, 0], argmax_idx)
    idxs = idxs.at[:, 0].set(idx0)
    argmax_val = jnp.take_along_axis(flat, argmax_idx[:, None].astype(jnp.int32), axis=1)[:, 0]
    peak_max = jnp.where(has_peak, vals[:, 0], argmax_val)
    adaptive_thr = peak_max * ADAPT_RATIO
    valid_mask = peak_valid & (vals >= adaptive_thr[:, None])
    n_valid = jnp.maximum(1, valid_mask.sum(axis=1))
    rank = jnp.arange(TOP_K)[None, :]
    keep = rank < n_valid[:, None]
    x = (idxs % W).astype(jnp.float32)
    y = (idxs // W).astype(jnp.float32)
    coords = jnp.stack([x, y], axis=-1)  # [B, K, 2] (x, y)
    point_coords = jnp.where(keep[..., None], coords, -1.0)
    point_labels = jnp.where(keep, 1.0, -1.0)
    return point_coords, point_labels

if __name__ == "__main__":
    import jax
    _d = setup_inputs()
    print(jax.jit(kernel)(*tuple(_d.values())))

</pallas_src>

<mosaic_0001>
#map = affine_map<(d0, d1) -> (0, 0)>
module attributes {stable_mosaic.version = 14 : i64} {
  func.func @_select_kernel(%arg0: i32, %arg1: i32, %arg2: memref<16x64xf32, #tpu.memory_space<hbm>>, %arg3: memref<16x48xf32, #tpu.memory_space<hbm>>, %arg4: memref<64xf32, #tpu.memory_space<vmem>>, %arg5: memref<48xf32, #tpu.memory_space<vmem>>) attributes {dimension_semantics = [#tpu.dimension_semantics<core_parallel>, #tpu.dimension_semantics<subcore_parallel>], iteration_bounds = array<i64: 2, 16>, scalar_prefetch = 0 : i64, scratch_operands = 2 : i64, tpu.core_type = #tpu.core_type<sc_vector_subcore>, window_params = [{transform_indices = #map}, {transform_indices = #map}]} {
    %eq3A = arith.constant 0 : i32
    %eq3A_0 = arith.cmpi eq, %arg0, %eq3A : i32
    %convert_element_type3A = arith.extui %eq3A_0 : i1 to i32
    %cond3A = arith.constant 0 : i32
    %cond3A_1 = arith.cmpi ne, %convert_element_type3A, %cond3A : i32
    scf.if %cond3A_1 {
      "tpu.region"() ({
        %run_scoped3A = tpu.sem_alloc : memref<!tpu.dma_semaphore, #tpu.memory_space<semaphore_mem>>
        %dma_start3A = arith.constant 0 : i32
        %dma_start3A_50 = tpu.memref_slice %arg2[%arg1, %dma_start3A] : memref<16x64xf32, #tpu.memory_space<hbm>> -> memref<1x64xf32, #tpu.memory_space<hbm>>
        %dma_start3A_51 = tpu.memref_squeeze %dma_start3A_50 : memref<1x64xf32, #tpu.memory_space<hbm>> -> memref<64xf32, #tpu.memory_space<hbm>>
        %dma_start3A_52 = arith.constant 0 : i32
        %dma_start3A_53 = tpu.memref_slice %arg2[%arg1, %dma_start3A_52] : memref<16x64xf32, #tpu.memory_space<hbm>> -> memref<1x64xf32, #tpu.memory_space<hbm>>
        %dma_start3A_54 = tpu.memref_squeeze %dma_start3A_53 : memref<1x64xf32, #tpu.memory_space<hbm>> -> memref<64xf32, #tpu.memory_space<hbm>>
        tpu.enqueue_dma source(%dma_start3A_54 : memref<64xf32, #tpu.memory_space<hbm>>) target(%arg4 : memref<64xf32, #tpu.memory_space<vmem>>) target_semaphore(%run_scoped3A : memref<!tpu.dma_semaphore, #tpu.memory_space<semaphore_mem>>)
        %dma_wait3A = arith.constant 0 : i32
        %dma_wait3A_55 = tpu.memref_slice %arg2[%arg1, %dma_wait3A] : memref<16x64xf32, #tpu.memory_space<hbm>> -> memref<1x64xf32, #tpu.memory_space<hbm>>
        %dma_wait3A_56 = tpu.memref_squeeze %dma_wait3A_55 : memref<1x64xf32, #tpu.memory_space<hbm>> -> memref<64xf32, #tpu.memory_space<hbm>>
        %dma_wait3A_57 = arith.constant 0 : i32
        %dma_wait3A_58 = tpu.memref_slice %arg2[%arg1, %dma_wait3A_57] : memref<16x64xf32, #tpu.memory_space<hbm>> -> memref<1x64xf32, #tpu.memory_space<hbm>>
        %dma_wait3A_59 = tpu.memref_squeeze %dma_wait3A_58 : memref<1x64xf32, #tpu.memory_space<hbm>> -> memref<64xf32, #tpu.memory_space<hbm>>
        tpu.wait_dma2 semaphore(%run_scoped3A : memref<!tpu.dma_semaphore, #tpu.memory_space<semaphore_mem>>) src(%dma_wait3A_59 : memref<64xf32, #tpu.memory_space<hbm>>) dst(%arg4 : memref<64xf32, #tpu.memory_space<vmem>>)
        tpu.yield
      }) : () -> ()
      %get3A = arith.constant 0 : index
      %get3A_2 = tpu.vector_load %arg4[%get3A] {strides = array<i32>} : memref<64xf32, #tpu.memory_space<vmem>>, vector<16xf32>,
      %get3A_3 = vector.shape_cast %get3A_2 : vector<16xf32> to vector<16xf32>
      %get3A_4 = arith.constant 16 : index
      %get3A_5 = tpu.vector_load %arg4[%get3A_4] {strides = array<i32>} : memref<64xf32, #tpu.memory_space<vmem>>, vector<16xf32>,
      %get3A_6 = vector.shape_cast %get3A_5 : vector<16xf32> to vector<16xf32>
      %convert_element_type3A_7 = arith.fptosi %get3A_6 : vector<16xf32> to vector<16xi32>
      %get3A_8 = arith.constant 32 : index
      %get3A_9 = tpu.vector_load %arg4[%get3A_8] {strides = array<i32>} : memref<64xf32, #tpu.memory_space<vmem>>, vector<16xf32>,
      %get3A_10 = vector.shape_cast %get3A_9 : vector<16xf32> to vector<16xf32>
      %convert_element_type3A_11 = arith.fptosi %get3A_10 : vector<16xf32> to vector<16xi32>
      %get3A_12 = arith.constant 48 : index
      %get3A_13 = tpu.vector_load %arg4[%get3A_12] {strides = array<i32>} : memref<64xf32, #tpu.memory_space<vmem>>, vector<16xf32>,
      %get3A_14 = vector.shape_cast %get3A_13 : vector<16xf32> to vector<16xf32>
      %iota3A = tpu.iota {dimensions = array<i32: 0>} : vector<16xi32>
      %lt3A = arith.constant 26214 : i32
      %lt3A_15 = vector.broadcast %lt3A : i32 to vector<16xi32>
      %lt3A_16 = arith.cmpi slt, %convert_element_type3A_11, %lt3A_15 : vector<16xi32>
      %ge3A = arith.cmpf oge, %get3A_3, %get3A_14 : vector<16xf32>
      %and3A = arith.andi %lt3A_16, %ge3A : vector<16xi1>
      %lt3A_17 = arith.constant 5 : i32
      %lt3A_18 = vector.broadcast %lt3A_17 : i32 to vector<16xi32>
      %lt3A_19 = arith.cmpi slt, %iota3A, %lt3A_18 : vector<16xi32>
      %and3A_20 = arith.andi %and3A, %lt3A_19 : vector<16xi1>
      %eq3A_21 = arith.constant 0 : i32
      %eq3A_22 = vector.broadcast %eq3A_21 : i32 to vector<16xi32>
      %eq3A_23 = arith.cmpi eq, %iota3A, %eq3A_22 : vector<16xi32>
      %or3A = arith.ori %and3A_20, %eq3A_23 : vector<16xi1>
      %and3A_24 = arith.constant 511 : i32
      %and3A_25 = vector.broadcast %and3A_24 : i32 to vector<16xi32>
      %and3A_26 = arith.andi %convert_element_type3A_7, %and3A_25 : vector<16xi32>
      %convert_element_type3A_27 = arith.sitofp %and3A_26 : vector<16xi32> to vector<16xf32>
      %shift_right_logical3A = arith.constant 9 : i32
      %shift_right_logical3A_28 = vector.broadcast %shift_right_logical3A : i32 to vector<16xi32>
      %shift_right_logical3A_29 = arith.shrui %convert_element_type3A_7, %shift_right_logical3A_28 : vector<16xi32>
      %convert_element_type3A_30 = arith.sitofp %shift_right_logical3A_29 : vector<16xi32> to vector<16xf32>
      %jit3A = arith.constant -1.000000e+00 : f32
      %broadcast_in_dim3A = vector.broadcast %jit3A : f32 to vector<16xf32>
      %select_n3A = arith.select %or3A, %convert_element_type3A_27, %broadcast_in_dim3A : vector<16xi1>, vector<16xf32>
      %swap3A = arith.constant 0 : index
      %swap3A_31 = tpu.vector_load %arg5[%swap3A] {strides = array<i32>} : memref<48xf32, #tpu.memory_space<vmem>>, vector<16xf32>,
      %swap3A_32 = vector.shape_cast %swap3A_31 : vector<16xf32> to vector<16xf32>
      %swap3A_33 = vector.shape_cast %select_n3A : vector<16xf32> to vector<16xf32>
      tpu.vector_store %arg5[%swap3A], %swap3A_33 {strides = array<i32>} : memref<48xf32, #tpu.memory_space<vmem>>, vector<16xf32>,
      %jit3A_34 = arith.constant -1.000000e+00 : f32
      %broadcast_in_dim3A_35 = vector.broadcast %jit3A_34 : f32 to vector<16xf32>
      %select_n3A_36 = arith.select %or3A, %convert_element_type3A_30, %broadcast_in_dim3A_35 : vector<16xi1>, vector<16xf32>
      %swap3A_37 = arith.constant 16 : index
      %swap3A_38 = tpu.vector_load %arg5[%swap3A_37] {strides = array<i32>} : memref<48xf32, #tpu.memory_space<vmem>>, vector<16xf32>,
      %swap3A_39 = vector.shape_cast %swap3A_38 : vector<16xf32> to vector<16xf32>
      %swap3A_40 = vector.shape_cast %select_n3A_36 : vector<16xf32> to vector<16xf32>
      tpu.vector_store %arg5[%swap3A_37], %swap3A_40 {strides = array<i32>} : memref<48xf32, #tpu.memory_space<vmem>>, vector<16xf32>,
      %jit3A_41 = arith.constant 1.000000e+00 : f32
      %jit3A_42 = arith.constant -1.000000e+00 : f32
      %broadcast_in_dim3A_43 = vector.broadcast %jit3A_41 : f32 to vector<16xf32>
      %broadcast_in_dim3A_44 = vector.broadcast %jit3A_42 : f32 to vector<16xf32>
      %select_n3A_45 = arith.select %or3A, %broadcast_in_dim3A_43, %broadcast_in_dim3A_44 : vector<16xi1>, vector<16xf32>
      %swap3A_46 = arith.constant 32 : index
      %swap3A_47 = tpu.vector_load %arg5[%swap3A_46] {strides = array<i32>} : memref<48xf32, #tpu.memory_space<vmem>>, vector<16xf32>,
      %swap3A_48 = vector.shape_cast %swap3A_47 : vector<16xf32> to vector<16xf32>
      %swap3A_49 = vector.shape_cast %select_n3A_45 : vector<16xf32> to vector<16xf32>
      tpu.vector_store %arg5[%swap3A_46], %swap3A_49 {strides = array<i32>} : memref<48xf32, #tpu.memory_space<vmem>>, vector<16xf32>,
      "tpu.region"() ({
        %run_scoped3A = tpu.sem_alloc : memref<!tpu.dma_semaphore, #tpu.memory_space<semaphore_mem>>
        %dma_start3A = arith.constant 0 : i32
        %dma_start3A_50 = tpu.memref_slice %arg3[%arg1, %dma_start3A] : memref<16x48xf32, #tpu.memory_space<hbm>> -> memref<1x48xf32, #tpu.memory_space<hbm>>
        %dma_start3A_51 = tpu.memref_squeeze %dma_start3A_50 : memref<1x48xf32, #tpu.memory_space<hbm>> -> memref<48xf32, #tpu.memory_space<hbm>>
        %dma_start3A_52 = arith.constant 0 : i32
        %dma_start3A_53 = tpu.memref_slice %arg3[%arg1, %dma_start3A_52] : memref<16x48xf32, #tpu.memory_space<hbm>> -> memref<1x48xf32, #tpu.memory_space<hbm>>
        %dma_start3A_54 = tpu.memref_squeeze %dma_start3A_53 : memref<1x48xf32, #tpu.memory_space<hbm>> -> memref<48xf32, #tpu.memory_space<hbm>>
        tpu.enqueue_dma source(%arg5 : memref<48xf32, #tpu.memory_space<vmem>>) target(%dma_start3A_54 : memref<48xf32, #tpu.memory_space<hbm>>) target_semaphore(%run_scoped3A : memref<!tpu.dma_semaphore, #tpu.memory_space<semaphore_mem>>)
        %dma_wait3A = arith.constant 0 : i32
        %dma_wait3A_55 = tpu.memref_slice %arg3[%arg1, %dma_wait3A] : memref<16x48xf32, #tpu.memory_space<hbm>> -> memref<1x48xf32, #tpu.memory_space<hbm>>
        %dma_wait3A_56 = tpu.memref_squeeze %dma_wait3A_55 : memref<1x48xf32, #tpu.memory_space<hbm>> -> memref<48xf32, #tpu.memory_space<hbm>>
        %dma_wait3A_57 = arith.constant 0 : i32
        %dma_wait3A_58 = tpu.memref_slice %arg3[%arg1, %dma_wait3A_57] : memref<16x48xf32, #tpu.memory_space<hbm>> -> memref<1x48xf32, #tpu.memory_space<hbm>>
        %dma_wait3A_59 = tpu.memref_squeeze %dma_wait3A_58 : memref<1x48xf32, #tpu.memory_space<hbm>> -> memref<48xf32, #tpu.memory_space<hbm>>
        tpu.wait_dma2 semaphore(%run_scoped3A : memref<!tpu.dma_semaphore, #tpu.memory_space<semaphore_mem>>) src(%arg5 : memref<48xf32, #tpu.memory_space<vmem>>) dst(%dma_wait3A_59 : memref<48xf32, #tpu.memory_space<hbm>>)
        tpu.yield
      }) : () -> ()
    } else {
    }
    return
  }
}

module attributes {stable_mosaic.version = 14 : i64} {
  func.func @_image_kernel(%arg0: i32, %arg1: memref<4x512x512xf32, #tpu.memory_space<vmem>>, %arg2: memref<4x1x64xf32, #tpu.memory_space<vmem>>) attributes {dimension_semantics = [#tpu.dimension_semantics<arbitrary>], iteration_bounds = array<i64: 4>, scalar_prefetch = 0 : i64, scratch_operands = 0 : i64, tpu.core_type = #tpu.core_type<tc>, window_params = [{transform_indices = @transform_0, window_bounds = array<i64: 4, 512, 512>}, {transform_indices = @transform_1, window_bounds = array<i64: 4, 1, 64>}]} {
    %get3A = arith.constant 0 : index
    %get3A_0 = arith.constant 0 : index
    %get3A_1 = arith.constant 0 : index
    %get3A_2 = vector.load %arg1[%get3A, %get3A_0, %get3A_1] : memref<4x512x512xf32, #tpu.memory_space<vmem>>, vector<4x512x512xf32>
    %iota3A = tpu.iota {dimensions = array<i32: 2>} : vector<4x512x512xi32>
    %iota3A_3 = tpu.iota {dimensions = array<i32: 1>} : vector<4x512x512xi32>
    %slice3A = vector.extract_strided_slice %get3A_2 {offsets = [0, 0, 511], sizes = [4, 512, 1], strides = [1, 1, 1]} : vector<4x512x512xf32> to vector<4x512x1xf32>
    %slice3A_4 = vector.extract_strided_slice %get3A_2 {offsets = [0, 0, 0], sizes = [4, 512, 511], strides = [1, 1, 1]} : vector<4x512x512xf32> to vector<4x512x511xf32>
    %concatenate3A = tpu.concatenate %slice3A, %slice3A_4 in 2 : vector<4x512x1xf32>, vector<4x512x511xf32> -> vector<4x512x512xf32>
    %add3A = arith.constant -1 : i32
    %add3A_5 = vector.broadcast %add3A : i32 to vector<4x512x512xi32>
    %add3A_6 = arith.addi %iota3A, %add3A_5 : vector<4x512x512xi32>
    %ge3A = arith.constant 0 : i32
    %ge3A_7 = vector.broadcast %ge3A : i32 to vector<4x512x512xi32>
    %ge3A_8 = arith.cmpi sge, %add3A_6, %ge3A_7 : vector<4x512x512xi32>
    %add3A_9 = arith.constant -1 : i32
    %add3A_10 = vector.broadcast %add3A_9 : i32 to vector<4x512x512xi32>
    %add3A_11 = arith.addi %iota3A, %add3A_10 : vector<4x512x512xi32>
    %lt3A = arith.constant 512 : i32
    %lt3A_12 = vector.broadcast %lt3A : i32 to vector<4x512x512xi32>
    %lt3A_13 = arith.cmpi slt, %add3A_11, %lt3A_12 : vector<4x512x512xi32>
    %and3A = arith.andi %ge3A_8, %lt3A_13 : vector<4x512x512xi1>
    %jit3A = arith.constant 0xFF800000 : f32
    %broadcast_in_dim3A = vector.broadcast %jit3A : f32 to vector<4x512x512xf32>
    %select_n3A = arith.select %and3A, %concatenate3A, %broadcast_in_dim3A : vector<4x512x512xi1>, vector<4x512x512xf32>
    %max3A = arith.maximumf %select_n3A, %get3A_2 : vector<4x512x512xf32>
    %slice3A_14 = vector.extract_strided_slice %get3A_2 {offsets = [0, 0, 1], sizes = [4, 512, 511], strides = [1, 1, 1]} : vector<4x512x512xf32> to vector<4x512x511xf32>
    %slice3A_15 = vector.extract_strided_slice %get3A_2 {offsets = [0, 0, 0], sizes = [4, 512, 1], strides = [1, 1, 1]} : vector<4x512x512xf32> to vector<4x512x1xf32>
    %concatenate3A_16 = tpu.concatenate %slice3A_14, %slice3A_15 in 2 : vector<4x512x511xf32>, vector<4x512x1xf32> -> vector<4x512x512xf32>
    %add3A_17 = arith.constant 1 : i32
    %add3A_18 = vector.broadcast %add3A_17 : i32 to vector<4x512x512xi32>
    %add3A_19 = arith.addi %iota3A, %add3A_18 : vector<4x512x512xi32>
    %ge3A_20 = arith.constant 0 : i32
    %ge3A_21 = vector.broadcast %ge3A_20 : i32 to vector<4x512x512xi32>
    %ge3A_22 = arith.cmpi sge, %add3A_19, %ge3A_21 : vector<4x512x512xi32>
    %add3A_23 = arith.constant 1 : i32
    %add3A_24 = vector.broadcast %add3A_23 : i32 to vector<4x512x512xi32>
    %add3A_25 = arith.addi %iota3A, %add3A_24 : vector<4x512x512xi32>
    %lt3A_26 = arith.constant 512 : i32
    %lt3A_27 = vector.broadcast %lt3A_26 : i32 to vector<4x512x512xi32>
    %lt3A_28 = arith.cmpi slt, %add3A_25, %lt3A_27 : vector<4x512x512xi32>
    %and3A_29 = arith.andi %ge3A_22, %lt3A_28 : vector<4x512x512xi1>
    %jit3A_30 = arith.constant 0xFF800000 : f32
    %broadcast_in_dim3A_31 = vector.broadcast %jit3A_30 : f32 to vector<4x512x512xf32>
    %select_n3A_32 = arith.select %and3A_29, %concatenate3A_16, %broadcast_in_dim3A_31 : vector<4x512x512xi1>, vector<4x512x512xf32>
    %max3A_33 = arith.maximumf %max3A, %select_n3A_32 : vector<4x512x512xf32>
    %slice3A_34 = vector.extract_strided_slice %max3A_33 {offsets = [0, 0, 509], sizes = [4, 512, 3], strides = [1, 1, 1]} : vector<4x512x512xf32> to vector<4x512x3xf32>
    %slice3A_35 = vector.extract_strided_slice %max3A_33 {offsets = [0, 0, 0], sizes = [4, 512, 509], strides = [1, 1, 1]} : vector<4x512x512xf32> to vector<4x512x509xf32>
    %concatenate3A_36 = tpu.concatenate %slice3A_34, %slice3A_35 in 2 : vector<4x512x3xf32>, vector<4x512x509xf32> -> vector<4x512x512xf32>
    %add3A_37 = arith.constant -3 : i32
    %add3A_38 = vector.broadcast %add3A_37 : i32 to vector<4x512x512xi32>
    %add3A_39 = arith.addi %iota3A, %add3A_38 : vector<4x512x512xi32>
    %ge3A_40 = arith.constant 0 : i32
    %ge3A_41 = vector.broadcast %ge3A_40 : i32 to vector<4x512x512xi32>
    %ge3A_42 = arith.cmpi sge, %add3A_39, %ge3A_41 : vector<4x512x512xi32>
    %add3A_43 = arith.constant -3 : i32
    %add3A_44 = vector.broadcast %add3A_43 : i32 to vector<4x512x512xi32>
    %add3A_45 = arith.addi %iota3A, %add3A_44 : vector<4x512x512xi32>
    %lt3A_46 = arith.constant 512 : i32
    %lt3A_47 = vector.broadcast %lt3A_46 : i32 to vector<4x512x512xi32>
    %lt3A_48 = arith.cmpi slt, %add3A_45, %lt3A_47 : vector<4x512x512xi32>
    %and3A_49 = arith.andi %ge3A_42, %lt3A_48 : vector<4x512x512xi1>
    %jit3A_50 = arith.constant 0xFF800000 : f32
    %broadcast_in_dim3A_51 = vector.broadcast %jit3A_50 : f32 to vector<4x512x512xf32>
    %select_n3A_52 = arith.select %and3A_49, %concatenate3A_36, %broadcast_in_dim3A_51 : vector<4x512x512xi1>, vector<4x512x512xf32>
    %max3A_53 = arith.maximumf %select_n3A_52, %max3A_33 : vector<4x512x512xf32>
    %slice3A_54 = vector.extract_strided_slice %max3A_33 {offsets = [0, 0, 3], sizes = [4, 512, 509], strides = [1, 1, 1]} : vector<4x512x512xf32> to vector<4x512x509xf32>
    %slice3A_55 = vector.extract_strided_slice %max3A_33 {offsets = [0, 0, 0], sizes = [4, 512, 3], strides = [1, 1, 1]} : vector<4x512x512xf32> to vector<4x512x3xf32>
    %concatenate3A_56 = tpu.concatenate %slice3A_54, %slice3A_55 in 2 : vector<4x512x509xf32>, vector<4x512x3xf32> -> vector<4x512x512xf32>
    %add3A_57 = arith.constant 3 : i32
    %add3A_58 = vector.broadcast %add3A_57 : i32 to vector<4x512x512xi32>
    %add3A_59 = arith.addi %iota3A, %add3A_58 : vector<4x512x512xi32>
    %ge3A_60 = arith.constant 0 : i32
    %ge3A_61 = vector.broadcast %ge3A_60 : i32 to vector<4x512x512xi32>
    %ge3A_62 = arith.cmpi sge, %add3A_59, %ge3A_61 : vector<4x512x512xi32>
    %add3A_63 = arith.constant 3 : i32
    %add3A_64 = vector.broadcast %add3A_63 : i32 to vector<4x512x512xi32>
    %add3A_65 = arith.addi %iota3A, %add3A_64 : vector<4x512x512xi32>
    %lt3A_66 = arith.constant 512 : i32
    %lt3A_67 = vector.broadcast %lt3A_66 : i32 to vector<4x512x512xi32>
    %lt3A_68 = arith.cmpi slt, %add3A_65, %lt3A_67 : vector<4x512x512xi32>
    %and3A_69 = arith.andi %ge3A_62, %lt3A_68 : vector<4x512x512xi1>
    %jit3A_70 = arith.constant 0xFF800000 : f32
    %broadcast_in_dim3A_71 = vector.broadcast %jit3A_70 : f32 to vector<4x512x512xf32>
    %select_n3A_72 = arith.select %and3A_69, %concatenate3A_56, %broadcast_in_dim3A_71 : vector<4x512x512xi1>, vector<4x512x512xf32>
    %max3A_73 = arith.maximumf %max3A_53, %select_n3A_72 : vector<4x512x512xf32>
    %slice3A_74 = vector.extract_strided_slice %max3A_73 {offsets = [0, 511, 0], sizes = [4, 1, 512], strides = [1, 1, 1]} : vector<4x512x512xf32> to vector<4x1x512xf32>
    %slice3A_75 = vector.extract_strided_slice %max3A_73 {offsets = [0, 0, 0], sizes = [4, 511, 512], strides = [1, 1, 1]} : vector<4x512x512xf32> to vector<4x511x512xf32>
    %concatenate3A_76 = tpu.concatenate %slice3A_74, %slice3A_75 in 1 : vector<4x1x512xf32>, vector<4x511x512xf32> -> vector<4x512x512xf32>
    %add3A_77 = arith.constant -1 : i32
    %add3A_78 = vector.broadcast %add3A_77 : i32 to vector<4x512x512xi32>
    %add3A_79 = arith.addi %iota3A_3, %add3A_78 : vector<4x512x512xi32>
    %ge3A_80 = arith.constant 0 : i32
    %ge3A_81 = vector.broadcast %ge3A_80 : i32 to vector<4x512x512xi32>
    %ge3A_82 = arith.cmpi sge, %add3A_79, %ge3A_81 : vector<4x512x512xi32>
    %add3A_83 = arith.constant -1 : i32
    %add3A_84 = vector.broadcast %add3A_83 : i32 to vector<4x512x512xi32>
    %add3A_85 = arith.addi %iota3A_3, %add3A_84 : vector<4x512x512xi32>
    %lt3A_86 = arith.constant 512 : i32
    %lt3A_87 = vector.broadcast %lt3A_86 : i32 to vector<4x512x512xi32>
    %lt3A_88 = arith.cmpi slt, %add3A_85, %lt3A_87 : vector<4x512x512xi32>
    %and3A_89 = arith.andi %ge3A_82, %lt3A_88 : vector<4x512x512xi1>
    %jit3A_90 = arith.constant 0xFF800000 : f32
    %broadcast_in_dim3A_91 = vector.broadcast %jit3A_90 : f32 to vector<4x512x512xf32>
    %select_n3A_92 = arith.select %and3A_89, %concatenate3A_76, %broadcast_in_dim3A_91 : vector<4x512x512xi1>, vector<4x512x512xf32>
    %max3A_93 = arith.maximumf %select_n3A_92, %max3A_73 : vector<4x512x512xf32>
    %slice3A_94 = vector.extract_strided_slice %max3A_73 {offsets = [0, 1, 0], sizes = [4, 511, 512], strides = [1, 1, 1]} : vector<4x512x512xf32> to vector<4x511x512xf32>
    %slice3A_95 = vector.extract_strided_slice %max3A_73 {offsets = [0, 0, 0], sizes = [4, 1, 512], strides = [1, 1, 1]} : vector<4x512x512xf32> to vector<4x1x512xf32>
    %concatenate3A_96 = tpu.concatenate %slice3A_94, %slice3A_95 in 1 : vector<4x511x512xf32>, vector<4x1x512xf32> -> vector<4x512x512xf32>
    %add3A_97 = arith.constant 1 : i32
    %add3A_98 = vector.broadcast %add3A_97 : i32 to vector<4x512x512xi32>
    %add3A_99 = arith.addi %iota3A_3, %add3A_98 : vector<4x512x512xi32>
    %ge3A_100 = arith.constant 0 : i32
    %ge3A_101 = vector.broadcast %ge3A_100 : i32 to vector<4x512x512xi32>
    %ge3A_102 = arith.cmpi sge, %add3A_99, %ge3A_101 : vector<4x512x512xi32>
    %add3A_103 = arith.constant 1 : i32
    %add3A_104 = vector.broadcast %add3A_103 : i32 to vector<4x512x512xi32>
    %add3A_105 = arith.addi %iota3A_3, %add3A_104 : vector<4x512x512xi32>
    %lt3A_106 = arith.constant 512 : i32
    %lt3A_107 = vector.broadcast %lt3A_106 : i32 to vector<4x512x512xi32>
    %lt3A_108 = arith.cmpi slt, %add3A_105, %lt3A_107 : vector<4x512x512xi32>
    %and3A_109 = arith.andi %ge3A_102, %lt3A_108 : vector<4x512x512xi1>
    %jit3A_110 = arith.constant 0xFF800000 : f32
    %broadcast_in_dim3A_111 = vector.broadcast %jit3A_110 : f32 to vector<4x512x512xf32>
    %select_n3A_112 = arith.select %and3A_109, %concatenate3A_96, %broadcast_in_dim3A_111 : vector<4x512x512xi1>, vector<4x512x512xf32>
    %max3A_113 = arith.maximumf %max3A_93, %select_n3A_112 : vector<4x512x512xf32>
    %slice3A_114 = vector.extract_strided_slice %max3A_113 {offsets = [0, 509, 0], sizes = [4, 3, 512], strides = [1, 1, 1]} : vector<4x512x512xf32> to vector<4x3x512xf32>
    %slice3A_115 = vector.extract_strided_slice %max3A_113 {offsets = [0, 0, 0], sizes = [4, 509, 512], strides = [1, 1, 1]} : vector<4x512x512xf32> to vector<4x509x512xf32>
    %concatenate3A_116 = tpu.concatenate %slice3A_114, %slice3A_115 in 1 : vector<4x3x512xf32>, vector<4x509x512xf32> -> vector<4x512x512xf32>
    %add3A_117 = arith.constant -3 : i32
    %add3A_118 = vector.broadcast %add3A_117 : i32 to vector<4x512x512xi32>
    %add3A_119 = arith.addi %iota3A_3, %add3A_118 : vector<4x512x512xi32>
    %ge3A_120 = arith.constant 0 : i32
    %ge3A_121 = vector.broadcast %ge3A_120 : i32 to vector<4x512x512xi32>
    %ge3A_122 = arith.cmpi sge, %add3A_119, %ge3A_121 : vector<4x512x512xi32>
    %add3A_123 = arith.constant -3 : i32
    %add3A_124 = vector.broadcast %add3A_123 : i32 to vector<4x512x512xi32>
    %add3A_125 = arith.addi %iota3A_3, %add3A_124 : vector<4x512x512xi32>
    %lt3A_126 = arith.constant 512 : i32
    %lt3A_127 = vector.broadcast %lt3A_126 : i32 to vector<4x512x512xi32>
    %lt3A_128 = arith.cmpi slt, %add3A_125, %lt3A_127 : vector<4x512x512xi32>
    %and3A_129 = arith.andi %ge3A_122, %lt3A_128 : vector<4x512x512xi1>
    %jit3A_130 = arith.constant 0xFF800000 : f32
    %broadcast_in_dim3A_131 = vector.broadcast %jit3A_130 : f32 to vector<4x512x512xf32>
    %select_n3A_132 = arith.select %and3A_129, %concatenate3A_116, %broadcast_in_dim3A_131 : vector<4x512x512xi1>, vector<4x512x512xf32>
    %max3A_133 = arith.maximumf %select_n3A_132, %max3A_113 : vector<4x512x512xf32>
    %slice3A_134 = vector.extract_strided_slice %max3A_113 {offsets = [0, 3, 0], sizes = [4, 509, 512], strides = [1, 1, 1]} : vector<4x512x512xf32> to vector<4x509x512xf32>
    %slice3A_135 = vector.extract_strided_slice %max3A_113 {offsets = [0, 0, 0], sizes = [4, 3, 512], strides = [1, 1, 1]} : vector<4x512x512xf32> to vector<4x3x512xf32>
    %concatenate3A_136 = tpu.concatenate %slice3A_134, %slice3A_135 in 1 : vector<4x509x512xf32>, vector<4x3x512xf32> -> vector<4x512x512xf32>
    %add3A_137 = arith.constant 3 : i32
    %add3A_138 = vector.broadcast %add3A_137 : i32 to vector<4x512x512xi32>
    %add3A_139 = arith.addi %iota3A_3, %add3A_138 : vector<4x512x512xi32>
    %ge3A_140 = arith.constant 0 : i32
    %ge3A_141 = vector.broadcast %ge3A_140 : i32 to vector<4x512x512xi32>
    %ge3A_142 = arith.cmpi sge, %add3A_139, %ge3A_141 : vector<4x512x512xi32>
    %add3A_143 = arith.constant 3 : i32
    %add3A_144 = vector.broadcast %add3A_143 : i32 to vector<4x512x512xi32>
    %add3A_145 = arith.addi %iota3A_3, %add3A_144 : vector<4x512x512xi32>
    %lt3A_146 = arith.constant 512 : i32
    %lt3A_147 = vector.broadcast %lt3A_146 : i32 to vector<4x512x512xi32>
    %lt3A_148 = arith.cmpi slt, %add3A_145, %lt3A_147 : vector<4x512x512xi32>
    %and3A_149 = arith.andi %ge3A_142, %lt3A_148 : vector<4x512x512xi1>
    %jit3A_150 = arith.constant 0xFF800000 : f32
    %broadcast_in_dim3A_151 = vector.broadcast %jit3A_150 : f32 to vector<4x512x512xf32>
    %select_n3A_152 = arith.select %and3A_149, %concatenate3A_136, %broadcast_in_dim3A_151 : vector<4x512x512xi1>, vector<4x512x512xf32>
    %max3A_153 = arith.maximumf %max3A_133, %select_n3A_152 : vector<4x512x512xf32>
    %eq3A = arith.cmpf oeq, %get3A_2, %max3A_153 : vector<4x512x512xf32>
    %mul3A = arith.constant 512 : i32
    %mul3A_154 = vector.broadcast %mul3A : i32 to vector<4x512x512xi32>
    %mul3A_155 = arith.muli %iota3A_3, %mul3A_154 : vector<4x512x512xi32>
    %add3A_156 = arith.addi %mul3A_155, %iota3A : vector<4x512x512xi32>
    %jit3A_157 = arith.constant 0xFF800000 : f32
    %broadcast_in_dim3A_158 = vector.broadcast %jit3A_157 : f32 to vector<4x512x512xf32>
    %select_n3A_159 = arith.select %eq3A, %get3A_2, %broadcast_in_dim3A_158 : vector<4x512x512xi1>, vector<4x512x512xf32>
    %reduce_max3A = arith.constant dense<0xFF800000> : vector<4xf32>
    %reduce_max3A_160 = vector.multi_reduction <maximumf>, %select_n3A_159, %reduce_max3A [1, 2] : vector<4x512x512xf32> to vector<4xf32>
    %broadcast_in_dim3A_161 = vector.shape_cast %reduce_max3A_160 : vector<4xf32> to vector<4x1x1xf32>
    %eq3A_162 = vector.broadcast %broadcast_in_dim3A_161 : vector<4x1x1xf32> to vector<4x512x512xf32>
    %eq3A_163 = arith.cmpf oeq, %select_n3A_159, %eq3A_162 : vector<4x512x512xf32>
    %jit3A_164 = arith.constant 1073741824 : i32
    %broadcast_in_dim3A_165 = vector.broadcast %jit3A_164 : i32 to vector<4x512x512xi32>
    %select_n3A_166 = arith.select %eq3A_163, %add3A_156, %broadcast_in_dim3A_165 : vector<4x512x512xi1>, vector<4x512x512xi32>
    %reduce_min3A = arith.constant dense<2147483647> : vector<4xi32>
    %reduce_min3A_167 = vector.multi_reduction <minsi>, %select_n3A_166, %reduce_min3A [1, 2] : vector<4x512x512xi32> to vector<4xi32>
    %broadcast_in_dim3A_168 = vector.shape_cast %reduce_min3A_167 : vector<4xi32> to vector<4x1x1xi32>
    %eq3A_169 = vector.broadcast %broadcast_in_dim3A_168 : vector<4x1x1xi32> to vector<4x512x512xi32>
    %eq3A_170 = arith.cmpi eq, %add3A_156, %eq3A_169 : vector<4x512x512xi32>
    %jit3A_171 = arith.constant 0xFF800000 : f32
    %broadcast_in_dim3A_172 = vector.broadcast %jit3A_171 : f32 to vector<4x512x512xf32>
    %select_n3A_173 = arith.select %eq3A_170, %broadcast_in_dim3A_172, %select_n3A_159 : vector<4x512x512xi1>, vector<4x512x512xf32>
    %reduce_max3A_174 = arith.constant dense<0xFF800000> : vector<4xf32>
    %reduce_max3A_175 = vector.multi_reduction <maximumf>, %select_n3A_173, %reduce_max3A_174 [1, 2] : vector<4x512x512xf32> to vector<4xf32>
    %broadcast_in_dim3A_176 = vector.shape_cast %reduce_max3A_175 : vector<4xf32> to vector<4x1x1xf32>
    %eq3A_177 = vector.broadcast %broadcast_in_dim3A_176 : vector<4x1x1xf32> to vector<4x512x512xf32>
    %eq3A_178 = arith.cmpf oeq, %select_n3A_173, %eq3A_177 : vector<4x512x512xf32>
    %jit3A_179 = arith.constant 1073741824 : i32
    %broadcast_in_dim3A_180 = vector.broadcast %jit3A_179 : i32 to vector<4x512x512xi32>
    %select_n3A_181 = arith.select %eq3A_178, %add3A_156, %broadcast_in_dim3A_180 : vector<4x512x512xi1>, vector<4x512x512xi32>
    %reduce_min3A_182 = arith.constant dense<2147483647> : vector<4xi32>
    %reduce_min3A_183 = vector.multi_reduction <minsi>, %select_n3A_181, %reduce_min3A_182 [1, 2] : vector<4x512x512xi32> to vector<4xi32>
    %broadcast_in_dim3A_184 = vector.shape_cast %reduce_min3A_183 : vector<4xi32> to vector<4x1x1xi32>
    %eq3A_185 = vector.broadcast %broadcast_in_dim3A_184 : vector<4x1x1xi32> to vector<4x512x512xi32>
    %eq3A_186 = arith.cmpi eq, %add3A_156, %eq3A_185 : vector<4x512x512xi32>
    %jit3A_187 = arith.constant 0xFF800000 : f32
    %broadcast_in_dim3A_188 = vector.broadcast %jit3A_187 : f32 to vector<4x512x512xf32>
    %select_n3A_189 = arith.select %eq3A_186, %broadcast_in_dim3A_188, %select_n3A_173 : vector<4x512x512xi1>, vector<4x512x512xf32>
    %reduce_max3A_190 = arith.constant dense<0xFF800000> : vector<4xf32>
    %reduce_max3A_191 = vector.multi_reduction <maximumf>, %select_n3A_189, %reduce_max3A_190 [1, 2] : vector<4x512x512xf32> to vector<4xf32>
    %broadcast_in_dim3A_192 = vector.shape_cast %reduce_max3A_191 : vector<4xf32> to vector<4x1x1xf32>
    %eq3A_193 = vector.broadcast %broadcast_in_dim3A_192 : vector<4x1x1xf32> to vector<4x512x512xf32>
    %eq3A_194 = arith.cmpf oeq, %select_n3A_189, %eq3A_193 : vector<4x512x512xf32>
    %jit3A_195 = arith.constant 1073741824 : i32
    %broadcast_in_dim3A_196 = vector.broadcast %jit3A_195 : i32 to vector<4x512x512xi32>
    %select_n3A_197 = arith.select %eq3A_194, %add3A_156, %broadcast_in_dim3A_196 : vector<4x512x512xi1>, vector<4x512x512xi32>
    %reduce_min3A_198 = arith.constant dense<2147483647> : vector<4xi32>
    %reduce_min3A_199 = vector.multi_reduction <minsi>, %select_n3A_197, %reduce_min3A_198 [1, 2] : vector<4x512x512xi32> to vector<4xi32>
    %broadcast_in_dim3A_200 = vector.shape_cast %reduce_min3A_199 : vector<4xi32> to vector<4x1x1xi32>
    %eq3A_201 = vector.broadcast %broadcast_in_dim3A_200 : vector<4x1x1xi32> to vector<4x512x512xi32>
    %eq3A_202 = arith.cmpi eq, %add3A_156, %eq3A_201 : vector<4x512x512xi32>
    %jit3A_203 = arith.constant 0xFF800000 : f32
    %broadcast_in_dim3A_204 = vector.broadcast %jit3A_203 : f32 to vector<4x512x512xf32>
    %select_n3A_205 = arith.select %eq3A_202, %broadcast_in_dim3A_204, %select_n3A_189 : vector<4x512x512xi1>, vector<4x512x512xf32>
    %reduce_max3A_206 = arith.constant dense<0xFF800000> : vector<4xf32>
    %reduce_max3A_207 = vector.multi_reduction <maximumf>, %select_n3A_205, %reduce_max3A_206 [1, 2] : vector<4x512x512xf32> to vector<4xf32>
    %broadcast_in_dim3A_208 = vector.shape_cast %reduce_max3A_207 : vector<4xf32> to vector<4x1x1xf32>
    %eq3A_209 = vector.broadcast %broadcast_in_dim3A_208 : vector<4x1x1xf32> to vector<4x512x512xf32>
    %eq3A_210 = arith.cmpf oeq, %select_n3A_205, %eq3A_209 : vector<4x512x512xf32>
    %jit3A_211 = arith.constant 1073741824 : i32
    %broadcast_in_dim3A_212 = vector.broadcast %jit3A_211 : i32 to vector<4x512x512xi32>
    %select_n3A_213 = arith.select %eq3A_210, %add3A_156, %broadcast_in_dim3A_212 : vector<4x512x512xi1>, vector<4x512x512xi32>
    %reduce_min3A_214 = arith.constant dense<2147483647> : vector<4xi32>
    %reduce_min3A_215 = vector.multi_reduction <minsi>, %select_n3A_213, %reduce_min3A_214 [1, 2] : vector<4x512x512xi32> to vector<4xi32>
    %broadcast_in_dim3A_216 = vector.shape_cast %reduce_min3A_215 : vector<4xi32> to vector<4x1x1xi32>
    %eq3A_217 = vector.broadcast %broadcast_in_dim3A_216 : vector<4x1x1xi32> to vector<4x512x512xi32>
    %eq3A_218 = arith.cmpi eq, %add3A_156, %eq3A_217 : vector<4x512x512xi32>
    %jit3A_219 = arith.constant 0xFF800000 : f32
    %broadcast_in_dim3A_220 = vector.broadcast %jit3A_219 : f32 to vector<4x512x512xf32>
    %select_n3A_221 = arith.select %eq3A_218, %broadcast_in_dim3A_220, %select_n3A_205 : vector<4x512x512xi1>, vector<4x512x512xf32>
    %reduce_max3A_222 = arith.constant dense<0xFF800000> : vector<4xf32>
    %reduce_max3A_223 = vector.multi_reduction <maximumf>, %select_n3A_221, %reduce_max3A_222 [1, 2] : vector<4x512x512xf32> to vector<4xf32>
    %broadcast_in_dim3A_224 = vector.shape_cast %reduce_max3A_223 : vector<4xf32> to vector<4x1x1xf32>
    %eq3A_225 = vector.broadcast %broadcast_in_dim3A_224 : vector<4x1x1xf32> to vector<4x512x512xf32>
    %eq3A_226 = arith.cmpf oeq, %select_n3A_221, %eq3A_225 : vector<4x512x512xf32>
    %jit3A_227 = arith.constant 1073741824 : i32
    %broadcast_in_dim3A_228 = vector.broadcast %jit3A_227 : i32 to vector<4x512x512xi32>
    %select_n3A_229 = arith.select %eq3A_226, %add3A_156, %broadcast_in_dim3A_228 : vector<4x512x512xi1>, vector<4x512x512xi32>
    %reduce_min3A_230 = arith.constant dense<2147483647> : vector<4xi32>
    %reduce_min3A_231 = vector.multi_reduction <minsi>, %select_n3A_229, %reduce_min3A_230 [1, 2] : vector<4x512x512xi32> to vector<4xi32>
    %broadcast_in_dim3A_232 = arith.constant 0 : i32
    %broadcast_in_dim3A_233 = vector.broadcast %broadcast_in_dim3A_232 : i32 to vector<4xi32>
    %broadcast_in_dim3A_234 = vector.shape_cast %reduce_max3A_175 : vector<4xf32> to vector<4x1x1xf32>
    %ge3A_235 = vector.broadcast %broadcast_in_dim3A_234 : vector<4x1x1xf32> to vector<4x512x512xf32>
    %ge3A_236 = arith.cmpf oge, %get3A_2, %ge3A_235 : vector<4x512x512xf32>
    %convert_element_type3A = arith.extui %ge3A_236 : vector<4x512x512xi1> to vector<4x512x512xi32>
    %reduce_sum3A = arith.constant dense<0> : vector<4xi32>
    %reduce_sum3A_237 = vector.multi_reduction <add>, %convert_element_type3A, %reduce_sum3A [1, 2] : vector<4x512x512xi32> to vector<4xi32>
    %broadcast_in_dim3A_238 = vector.shape_cast %reduce_max3A_191 : vector<4xf32> to vector<4x1x1xf32>
    %ge3A_239 = vector.broadcast %broadcast_in_dim3A_238 : vector<4x1x1xf32> to vector<4x512x512xf32>
    %ge3A_240 = arith.cmpf oge, %get3A_2, %ge3A_239 : vector<4x512x512xf32>
    %convert_element_type3A_241 = arith.extui %ge3A_240 : vector<4x512x512xi1> to vector<4x512x512xi32>
    %reduce_sum3A_242 = arith.constant dense<0> : vector<4xi32>
    %reduce_sum3A_243 = vector.multi_reduction <add>, %convert_element_type3A_241, %reduce_sum3A_242 [1, 2] : vector<4x512x512xi32> to vector<4xi32>
    %broadcast_in_dim3A_244 = vector.shape_cast %reduce_max3A_207 : vector<4xf32> to vector<4x1x1xf32>
    %ge3A_245 = vector.broadcast %broadcast_in_dim3A_244 : vector<4x1x1xf32> to vector<4x512x512xf32>
    %ge3A_246 = arith.cmpf oge, %get3A_2, %ge3A_245 : vector<4x512x512xf32>
    %convert_element_type3A_247 = arith.extui %ge3A_246 : vector<4x512x512xi1> to vector<4x512x512xi32>
    %reduce_sum3A_248 = arith.constant dense<0> : vector<4xi32>
    %reduce_sum3A_249 = vector.multi_reduction <add>, %convert_element_type3A_247, %reduce_sum3A_248 [1, 2] : vector<4x512x512xi32> to vector<4xi32>
    %broadcast_in_dim3A_250 = vector.shape_cast %reduce_max3A_223 : vector<4xf32> to vector<4x1x1xf32>
    %ge3A_251 = vector.broadcast %broadcast_in_dim3A_250 : vector<4x1x1xf32> to vector<4x512x512xf32>
    %ge3A_252 = arith.cmpf oge, %get3A_2, %ge3A_251 : vector<4x512x512xf32>
    %convert_element_type3A_253 = arith.extui %ge3A_252 : vector<4x512x512xi1> to vector<4x512x512xi32>
    %reduce_sum3A_254 = arith.constant dense<0> : vector<4xi32>
    %reduce_sum3A_255 = vector.multi_reduction <add>, %convert_element_type3A_253, %reduce_sum3A_254 [1, 2] : vector<4x512x512xi32> to vector<4xi32>
    %stack3A = vector.shape_cast %reduce_max3A_160 : vector<4xf32> to vector<4x1xf32>
    %stack3A_256 = vector.shape_cast %reduce_max3A_175 : vector<4xf32> to vector<4x1xf32>
    %stack3A_257 = vector.shape_cast %reduce_max3A_191 : vector<4xf32> to vector<4x1xf32>
    %stack3A_258 = vector.shape_cast %reduce_max3A_207 : vector<4xf32> to vector<4x1xf32>
    %stack3A_259 = vector.shape_cast %reduce_max3A_223 : vector<4xf32> to vector<4x1xf32>
    %stack3A_260 = tpu.concatenate %stack3A, %stack3A_256, %stack3A_257, %stack3A_258, %stack3A_259 in 1 : vector<4x1xf32>, vector<4x1xf32>, vector<4x1xf32>, vector<4x1xf32>, vector<4x1xf32> -> vector<4x5xf32>
    %broadcast_in_dim3A_261 = arith.constant 0xFF800000 : f32
    %broadcast_in_dim3A_262 = vector.broadcast %broadcast_in_dim3A_261 : f32 to vector<4x11xf32>
    %concatenate3A_263 = tpu.concatenate %stack3A_260, %broadcast_in_dim3A_262 in 1 : vector<4x5xf32>, vector<4x11xf32> -> vector<4x16xf32>
    %stack3A_264 = vector.shape_cast %reduce_min3A_167 : vector<4xi32> to vector<4x1xi32>
    %stack3A_265 = vector.shape_cast %reduce_min3A_183 : vector<4xi32> to vector<4x1xi32>
    %stack3A_266 = vector.shape_cast %reduce_min3A_199 : vector<4xi32> to vector<4x1xi32>
    %stack3A_267 = vector.shape_cast %reduce_min3A_215 : vector<4xi32> to vector<4x1xi32>
    %stack3A_268 = vector.shape_cast %reduce_min3A_231 : vector<4xi32> to vector<4x1xi32>
    %stack3A_269 = tpu.concatenate %stack3A_264, %stack3A_265, %stack3A_266, %stack3A_267, %stack3A_268 in 1 : vector<4x1xi32>, vector<4x1xi32>, vector<4x1xi32>, vector<4x1xi32>, vector<4x1xi32> -> vector<4x5xi32>
    %broadcast_in_dim3A_270 = arith.constant 0 : i32
    %broadcast_in_dim3A_271 = vector.broadcast %broadcast_in_dim3A_270 : i32 to vector<4x11xi32>
    %concatenate3A_272 = tpu.concatenate %stack3A_269, %broadcast_in_dim3A_271 in 1 : vector<4x5xi32>, vector<4x11xi32> -> vector<4x16xi32>
    %stack3A_273 = vector.shape_cast %broadcast_in_dim3A_233 : vector<4xi32> to vector<4x1xi32>
    %stack3A_274 = vector.shape_cast %reduce_sum3A_237 : vector<4xi32> to vector<4x1xi32>
    %stack3A_275 = vector.shape_cast %reduce_sum3A_243 : vector<4xi32> to vector<4x1xi32>
    %stack3A_276 = vector.shape_cast %reduce_sum3A_249 : vector<4xi32> to vector<4x1xi32>
    %stack3A_277 = vector.shape_cast %reduce_sum3A_255 : vector<4xi32> to vector<4x1xi32>
    %stack3A_278 = tpu.concatenate %stack3A_273, %stack3A_274, %stack3A_275, %stack3A_276, %stack3A_277 in 1 : vector<4x1xi32>, vector<4x1xi32>, vector<4x1xi32>, vector<4x1xi32>, vector<4x1xi32> -> vector<4x5xi32>
    %broadcast_in_dim3A_279 = arith.constant 1073741824 : i32
    %broadcast_in_dim3A_280 = vector.broadcast %broadcast_in_dim3A_279 : i32 to vector<4x11xi32>
    %concatenate3A_281 = tpu.concatenate %stack3A_278, %broadcast_in_dim3A_280 in 1 : vector<4x5xi32>, vector<4x11xi32> -> vector<4x16xi32>
    %broadcast_in_dim3A_282 = vector.shape_cast %reduce_max3A_160 : vector<4xf32> to vector<4x1xf32>
    %mul3A_283 = arith.constant 5.000000e-01 : f32
    %mul3A_284 = vector.broadcast %mul3A_283 : f32 to vector<4x1xf32>
    %mul3A_285 = arith.mulf %mul3A_284, %broadcast_in_dim3A_282 : vector<4x1xf32>
    %broadcast_in_dim3A_286 = vector.shape_cast %mul3A_285 : vector<4x1xf32> to vector<4x1xf32>
    %broadcast_in_dim3A_287 = vector.broadcast %broadcast_in_dim3A_286 : vector<4x1xf32> to vector<4x16xf32>
    %convert_element_type3A_288 = arith.sitofp %concatenate3A_272 : vector<4x16xi32> to vector<4x16xf32>
    %convert_element_type3A_289 = arith.sitofp %concatenate3A_281 : vector<4x16xi32> to vector<4x16xf32>
    %concatenate3A_290 = tpu.concatenate %concatenate3A_263, %convert_element_type3A_288, %convert_element_type3A_289, %broadcast_in_dim3A_287 in 1 : vector<4x16xf32>, vector<4x16xf32>, vector<4x16xf32>, vector<4x16xf32> -> vector<4x64xf32>
    %swap3A = arith.constant 0 : index
    %swap3A_291 = arith.constant 0 : index
    %swap3A_292 = arith.constant 0 : index
    %swap3A_293 = vector.load %arg2[%swap3A, %swap3A_291, %swap3A_292] : memref<4x1x64xf32, #tpu.memory_space<vmem>>, vector<4x1x64xf32>
    %swap3A_294 = vector.shape_cast %swap3A_293 : vector<4x1x64xf32> to vector<4x64xf32>
    %swap3A_295 = vector.shape_cast %concatenate3A_290 : vector<4x64xf32> to vector<4x1x64xf32>
    tpu.vector_store %arg2[%swap3A, %swap3A_291, %swap3A_292], %swap3A_295 {strides = array<i32>} : memref<4x1x64xf32, #tpu.memory_space<vmem>>, vector<4x1x64xf32>,
    return
  }
  func.func @transform_0(%arg0: i32) -> (i32, i32, i32) {
    %c0_i32 = arith.constant 0 : i32
    %c0_i32_0 = arith.constant 0 : i32
    %c0_i32_1 = arith.constant 0 : i32
    return %arg0, %c0_i32, %c0_i32_0 : i32, i32, i32
  }
  func.func @transform_1(%arg0: i32) -> (i32, i32, i32) {
    %c0_i32 = arith.constant 0 : i32
    %c0_i32_0 = arith.constant 0 : i32
    %c0_i32_1 = arith.constant 0 : i32
    return %arg0, %c0_i32, %c0_i32_0 : i32, i32, i32
  }
}

</mosaic_0001>

<sc_bundles>
// kernel: kernel.4.cloned.1.call-start
scs
__scs_entry_jumppad:
0x0: {  	(pc) =	sbr.rel $0x88, $3  }
0x1: {  	(tag) =	ssettag $0x0;
	lr =	simm.s32 $0x1  }
0x2: {  	[smem:$0x3FA0] =	sst lr;
	_ =	strace $0xD0000000  }
0x3: {  	_ = 	snop  }
0x4: {  	_ = 	snop  }
0x5: {  	_ = 	snop  }
0x6: {  	_ = 	snop  }
0x7: {  	_ = 	snop  }
__scs_overlays_trampoline_lowered:
0x8: {  	[smem:$0x3FAF] =	sst s0  }
0x9: {  	[smem:$0x3FB0] =	sst s1  }
0xa: {  	[smem:$0x3FB1] =	sst s2  }
0xb: {  	[smem:$0x3FB2] =	sst s3  }
0xc: {  	[smem:$0x3FB3] =	sst s4  }
0xd: {  	[smem:$0x3FB4] =	sst s5  }
0xe: {  	[smem:$0x3FB5] =	sst s6  }
0xf: {  	[smem:$0x3FB6] =	sst s7  }
0x10: {  	[smem:$0x3FB7] =	sst s8  }
0x11: {  	[smem:$0x3FB8] =	sst s9;
	s0 =	simm.s32 @!p0 $0x0  }
0x12: {  	s1 =	sld [smem:$0x3F9E];
	s0 =	simm.s32 @p0 $0x1  }
0x13: {  	[smem:$0x3FB9] =	sst s0;
	s0 =	simm.s32 @!p1 $0x0  }
0x14: {  	s2 =	sld [smem:$0x3F9D];
	s0 =	simm.s32 @p1 $0x1  }
0x15: {  	[smem:$0x3FBA] =	sst s0;
	s0 =	simm.s32 @!p2 $0x0  }
0x16: {  	s3 =	sld [smem:$0x3FDB];
	s0 =	simm.s32 @p2 $0x1  }
0x17: {  	s4 =	simm.s32 $0x1BF5;
	[smem:$0x3FBC] =	sst s0  }
0x18: {  	s0 =	sld [smem:$0x3F9F];
	_ =	swait.ge [sflag:s4], $0x0  }
0x19: {  	s7 =	sld [smem:$0x3FA0]  }
0x1a: {  	s8 =	sadd.s32 $0xFFFFE003, lr  }
0x1b: {  	s9 =	sadd.s32 $0xFFFFFEF7, lr;
	s5 =	simm.s32 $0xFFFFFFFF;
	p2 =	slt.u32 s8, $0xFFFFF086  }
0x1c: {  	p1 =	slt.u32 s9, $0xF7A;
	s5 =	simm.s32 @!p2 $0x0  }
0x1d: {  	s5 =	simm.s32 @p1 $0x1;
	p0 =	seq.s32 s7, s2  }
0x1e: {  	s7 =	smul.u32 @!p0 $0xF7A, s2;
	p2 =	seq.s32 @!p0 s5, $0x0  }
0x1f: {  	s9 =	smul.u32 $0xF7A, s1;
	s8 =	simm.s32 @!p0 $0x1BF5;
	p2 =	por !p2, p0  }
0x20: {  	[sflag:s8] =	ssyncset.s32 @!p0 $0xFFFFF086;
	s6 =	sadd.s32 @!p0 s3, s7;
	s7 =	simm.s32 @!p0 $0x108  }
0x21: {  	s3 =	sadd.s32 s3, s9;
	s6 =	sadd.s32 @!p0 $0x88, s6;
	s7 =	simm.s32 @p2 $0x1082  }
0x22: {  	[simem:s7], [sflag:s8] =	dma.local @!p0 [hbm:s6], $0xF7A  }
0x23: {  	s9 =	sor.u32 $0xD0000000, s2;
	s6 =	simm.s32 $0x108;
	_ =	swait.ge @!p0 [sflag:s8], $0x0  }
0x24: {  	s3 =	sadd.s32 $0x88, s3;
	s6 =	simm.s32 @!p1 $0x1082;
	[sflag:s4] =	ssyncset.s32 $0xFFFFF086  }
0x25: {  	[simem:s6], [sflag:s4] =	dma.local [hbm:s3], $0xF7A  }
0x26: {  	[smem:$0x3FA0] =	sst s1;
	(tag) =	ssettag s2;
	_ =	strace s9  }
0x27: {  	s1 =	sld [smem:$0x3FB0]  }
0x28: {  	s2 =	sld [smem:$0x3FB1]  }
0x29: {  	s4 =	sld [smem:$0x3FB3]  }
0x2a: {  	p0 =	seq.s32 s5, $0x0;
	s5 =	sld [smem:$0x3FB4]  }
0x2b: {  	s6 =	sld [smem:$0x3FB5]  }
0x2c: {  	s7 =	sld [smem:$0x3FB6]  }
0x2d: {  	s3 =	simm.s32 $0x108;
	s8 =	sld [smem:$0x3FB7]  }
0x2e: {  	s3 =	simm.s32 @!p0 $0x1082;
	s9 =	sld [smem:$0x3FB8]  }
0x2f: {  	lr =	sadd.s32 s0, s3;
	s0 =	sld [smem:$0x3FAF]  }
0x30: {  	s3 =	sld [smem:$0x3FB2]  }
0x31: {  	[smem:$0x3FBB] =	sst s10  }
0x32: {  	s10 =	sld [smem:$0x3FB9];
	_ =	sdelay $0x3  }
0x33: {  	p0 =	seq.s32 s10, $0x1;
	s10 =	sld [smem:$0x3FBB];
	_ =	sdelay $0x3  }
0x34: {  	[smem:$0x3FBB] =	sst s10  }
0x35: {  	s10 =	sld [smem:$0x3FBA];
	_ =	sdelay $0x3  }
0x36: {  	p1 =	seq.s32 s10, $0x1;
	s10 =	sld [smem:$0x3FBB];
	_ =	sdelay $0x3  }
0x37: {  	[smem:$0x3FBB] =	sst s10  }
0x38: {  	s10 =	sld [smem:$0x3FBC]  }
0x39: {  	_ = 	snop;
	(pc) =	sbr.ind lr, $3  }
0x3a: {  	_ = 	snop  }
0x3b: {  	_ = 	snop  }
0x3c: {  	p2 =	seq.s32 s10, $0x1;
	s10 =	sld [smem:$0x3FBB]  }
0x3d: {  	_ =	shalt  }
0x3e: {  	_ =	shalt  }
0x3f: {  	_ =	shalt  }
0x40: {  	_ =	shalt  }
0x41: {  	_ =	shalt  }
0x42: {  	_ =	shalt  }
0x43: {  	_ =	shalt  }
0x44: {  	_ =	shalt  }
0x45: {  	_ =	shalt  }
0x46: {  	_ =	shalt  }
0x47: {  	_ =	shalt  }
0x48: {  	_ =	shalt  }
0x49: {  	_ =	shalt  }
0x4a: {  	_ =	shalt  }
0x4b: {  	_ =	shalt  }
0x4c: {  	_ =	shalt  }
0x4d: {  	_ =	shalt  }
0x4e: {  	_ =	shalt  }
0x4f: {  	_ =	shalt  }
0x50: {  	_ =	shalt  }
0x51: {  	_ =	shalt  }
0x52: {  	_ =	shalt  }
0x53: {  	_ =	shalt  }
0x54: {  	_ =	shalt  }
0x55: {  	_ =	shalt  }
0x56: {  	_ =	shalt  }
0x57: {  	_ =	shalt  }
0x58: {  	_ =	shalt  }
0x59: {  	_ =	shalt  }
0x5a: {  	_ =	shalt  }
0x5b: {  	_ =	shalt  }
0x5c: {  	_ =	shalt  }
0x5d: {  	_ =	shalt  }
0x5e: {  	_ =	shalt  }
0x5f: {  	_ =	shalt  }
0x60: {  	_ =	shalt  }
0x61: {  	_ =	shalt  }
0x62: {  	_ =	shalt  }
0x63: {  	_ =	shalt  }
0x64: {  	_ =	shalt  }
0x65: {  	_ =	shalt  }
0x66: {  	_ =	shalt  }
0x67: {  	_ =	shalt  }
0x68: {  	_ =	shalt  }
0x69: {  	_ =	shalt  }
0x6a: {  	_ =	shalt  }
0x6b: {  	_ =	shalt  }
0x6c: {  	_ =	shalt  }
0x6d: {  	_ =	shalt  }
0x6e: {  	_ =	shalt  }
0x6f: {  	_ =	shalt  }
0x70: {  	_ =	shalt  }
0x71: {  	_ =	shalt  }
0x72: {  	_ =	shalt  }
0x73: {  	_ =	shalt  }
0x74: {  	_ =	shalt  }
0x75: {  	_ =	shalt  }
0x76: {  	_ =	shalt  }
0x77: {  	_ =	shalt  }
0x78: {  	_ =	shalt  }
0x79: {  	_ =	shalt  }
0x7a: {  	_ =	shalt  }
0x7b: {  	_ =	shalt  }
0x7c: {  	_ =	shalt  }
0x7d: {  	_ =	shalt  }
0x7e: {  	_ =	shalt  }
0x7f: {  	_ =	shalt  }
0x80: {  	_ =	shalt  }
0x81: {  	_ =	shalt  }
0x82: {  	_ =	shalt  }
0x83: {  	_ =	shalt  }
0x84: {  	_ =	shalt  }
0x85: {  	_ =	shalt  }
0x86: {  	_ =	shalt  }
0x87: {  	_ =	shalt  }
.Lfunc_end0:
.L_simem_size_0:
called_computation_lowered:
.L_overlay_start_0:
0x88: {  	s2 =	sld [smem:$0x3FD9]  }
0x89: {  	s3 =	sld [smem:$0x3FFE];
	_ =	sdelay $0x1  }
0x8a: {  	s1 =	srdreg.scid  }
0x8b: {  	s0 =	sand.u32 $0x1, s1  }
0x8c: {  	s16 =	sshll.u32 s0, $0xA;
	s2 =	sadd.s32 s3, s2  }
0x8d: {  	s2 =	sadd.s32 s2, s16  }
0x8e: {  	[smem:$0x3FC7] =	sst s2  }
0x8f: {  	_ = 	snop  }
0x90: {  	(tm) =	ssettm $0x1  }
0x91: {  	s17 =	sld [smem:$0x3FFB];
	_ =	sdelay $0x3  }
0x92: {  	_ =	strace s17  }
0x93: {  	s2 =	sld [smem:$0x3FFC];
	_ =	sdelay $0x3  }
0x94: {  	_ =	strace s2  }
0x95: {  	s2 =	sld [smem:$0x3FFD];
	_ =	sdelay $0x3  }
0x96: {  	_ =	strace s2  }
0x97: {  	_ =	strace $0x8FFFFFFF  }
0x98: {  	s18 =	sld [smem:$0x3FDB];
	_ =	sdelay $0x1  }
0x99: {  	s19 =	simm.s32 $_scs_section_size  }
0x9a: {  	s4 =	simm.s32 $_size__tile_overlayer_lowered;
	s5 =	simm.s32 $_tile_overlayer_lowered  }
0x9b: {  	s22 =	simm.s32 $0x1BFF;
	s21 =	sshll.u32 s5, $0x1;
	s2 =	sadd.s32 s19, s18  }
0x9c: {  	s6 =	simm.s32 $0x0;
	s20 =	sshll.u32 s4, $0x1;
	s4 =	sadd.s32 s21, s2  }
0x9d: {  	[timem:s6], [sflag:s22] =	dma.local [hbm:s4], s20  }
0x9e: {  	_ =	swait.ge [sflag:s22], s20  }
0x9f: {  	s3 =	ssub.s32 $0x0, s20;
	[sflag:s22] =	ssyncset.done $0x0  }
0xa0: {  	[sflag:s22] =	ssyncadd.s32 s3;
	_ =	sdelay $0x1  }
0xa1: {  	s23 =	simm.s32 $0x1B8B  }
0xa2: {  	_ =	swait.ge [sflag:s23], $0x1  }
0xa3: {  	[sflag:s23] =	ssyncset.done $0x0  }
0xa4: {  	s25 =	simm.s32 $0x1B8E;
	s24 =	sld [smem:$0x3FFE];
	[sflag:s23] =	ssyncadd.s32 $0xFFFFFFFF  }
0xa5: {  	s26 =	simm.s32 $execute0_lowered;
	[smem:$0x3FD2] =	sst s25  }
0xa6: {  	s4 =	sshll.u32 s26, $0x1;
	_ =	strace $0x80000046;
	[dreg:$0x1] =	wrdreg $0xFFFFFFFF  }
0xa7: {  	s28 =	simm.s32 $_size_execute0_lowered;
	s2 =	sadd.s32 s2, s4;
	[dreg:$0x0] =	wrdreg $0x0  }
0xa8: {  	s4 =	sshll.u32 s28, $0x1;
	[dreg:$0x2] =	wrdreg s2  }
0xa9: {  	[dreg:$0x3] =	wrdreg s4  }
0xaa: {  	[dreg:$0x4] =	wrdreg $0xC0  }
0xab: {  	_ =	task [dreg:s6], $0x5FFFF  }
0xac: {  	[dreg:$0x1] =	wrdreg $0xFFFFFFFF  }
0xad: {  	[dreg:$0x0] =	wrdreg $0x60  }
0xae: {  	[dreg:$0x2] =	wrdreg s24  }
0xaf: {  	[dreg:$0x3] =	wrdreg $0x9  }
0xb0: {  	_ =	task.clear_ibuf [dreg:s6], $0x4FFFF;
	_ =	strace $0x90000046  }
0xb1: {  	s29 =	simm.s32 $0x9;
	_ =	strace $0x80000048  }
0xb2: {  	_ =	swait.ge [sflag:s29], $0x1  }
0xb3: {  	[sflag:s29] =	ssyncadd.s32 $0xFFFFFFFF  }
0xb4: {  	_ =	strace $0x90000048  }
0xb5: {  	_ =	sfence  }
0xb6: {  	s30 =	sld [smem:$0x0];
	_ =	sdelay $0x2  }
0xb7: {  	s31 =	sshll.u32 s1, $0xD;
	s1 =	sshrl.u32 s1, $0x2  }
0xb8: {  	s3 =	sand.u32 $0x4000, s31;
	s1 =	sadd.s32 s1, s30  }
0xb9: {  	s0 =	sor.u32 s3, s0;
	s1 =	sshll.u32 s1, $0x11  }
0xba: {  	s0 =	sor.u32 s1, s0  }
0xbb: {  	s0 =	sadd.s32 $0x8F2B, s0  }
0xbc: {  	[sflag:s0] =	ssyncadd.remote.s32 $0x1  }
0xbd: {  	_ =	sfence.sel $0xFFFF  }
0xbe: {  	[dreg:$0x0] =	wrdreg $0xFFFFFFFF;
	(pc) =	sbr.abs _section_cstart, $3  }
0xbf: {  	[dreg:$0x1] =	wrdreg $0xFFFFFFFF  }
0xc0: {  	_ =	task.clear_ibuf [dreg:s6], $0x2FFFF;
	_ =	strace $0x9FFFFFFF  }
0xc1: {  	(tm) =	ssettm $0x7FFFFFFF  }
tec
execute0_lowered:
.L_overlay_start_1:
0x0: {  	(tag) =	ssettag $0x1  }
0x1: {  	s0 =	rddreg [dreg:$0x0];
	s1 =	srdreg.scid  }
0x2: {  	s2 =	rddreg [dreg:$0x1];
	s1 =	sand.u32 $0x1, s1  }
0x3: {  	s3 =	simm.s32 $0x0;
	s4 =	stileid.u32;
	p0 =	seq.s32 s1, $0x1  }
0x4: {  	[smem:$0x7FF] =	sst s3;
	s1 =	sadd.s32 $0xA00, s0;
	s3 =	sshll.u32 @!p0 s4, $0x4  }
0x5: {  	_ =	strace $0x80000047;
	s5 =	simm.s32 @!p0 $0x0;
	s1 =	sadd.s32 @!p0 s1, s3  }
0x6: {  	[tilespmem:s5], [sflag:$0x1] =	stream.linear.gather @!p0 [hbm4b:s1+s5], $0x80, $0x38;
	[tilespmem:$0x100] =	vst v63  }
0x7: {  	s1 =	simm.s32 @!p0 $0x1  }
0x8: {  	_ =	swait.ge @!p0 [sflag:s1], $0x80  }
0x9: {  	[sflag:s1] =	ssyncset.done @!p0 $0x0  }
0xa: {  	[sflag:s1] =	ssyncadd.s32 @!p0 $0xFFFFFF80  }
0xb: {  	v0 =	vld @!p0 [tilespmem:$0x20]  }
0xc: {  	v1 =	vld @!p0 [tilespmem:$0x10]  }
0xd: {  	v2 =	vld @!p0 [tilespmem:$0x0]  }
0xe: {  	v3 =	vld @!p0 [tilespmem:$0x30];
	_ =	sdelay $0x1  }
0xf: {  	v0 =	vtrunc.f32 @!p0 v0  }
0x10: {  	v1 =	vtrunc.f32 @!p0 v1;
	v0 =	vcvt.f32.s32 @!p0 v0  }
0x11: {  	v1 =	vcvt.f32.s32 @!p0 v1  }
0x12: {  	vm2 =	vmmov @!p0 $0x1;
	vm1 =	vge.f32 @!p0 v2, v3;
	vm0 =	vlt.s32 @!p0 v0, $0x6666  }
0x13: {  	v0 =	vand.u32 @!p0 $0x1FF, v1;
	vm0 =	vmand @!p0 vm0, vm1;
	vm1 =	vmmov @!p0 $0x1f  }
0x14: {  	v1 =	vshrl.u32 @!p0 v1, $0x9;
	v0 =	vcvt.s32.f32 @!p0 v0;
	vm1 =	vmand @!p0 vm0, vm1  }
0x15: {  	vm3 =	vcmask @!p0 $0x1300;
	v1 =	vcvt.s32.f32 @!p0 v1;
	vm1 =	vmor @!p0 vm1, vm2  }
0x16: {  	v2 =	vimm.f32 @!p0 $-1.000000000e+00;
	vm2 =	vcmask @!p0 $0x300;
	v0 =	vnsel @!p0 vm1, $0xBF800000, v0  }
0x17: {  	v1 =	vnsel @!p0 vm1, $0xBF800000, v1;
	[tilespmem:$0x80] =	vst @!p0 v0;
	v0 =	vsel @!p0 vm2, $0x3F800000, v2;
	v2 =	vsel @!p0 vm3, $0x3F800000, v2  }
0x18: {  	s0 =	sadd.s32 $0xC00, s0;
	[tilespmem:$0x90] =	vst @!p0 v1;
	v0 =	vsel @!p0 vm0, v2, v0  }
0x19: {  	s0 =	sadd.s32 @!p0 s0, s3;
	s3 =	simm.s32 @!p0 $0x80;
	[tilespmem:$0xA0] =	vst @!p0 v0  }
0x1a: {  	[hbm4b:s0+s5] =	stream.linear.scatter @!p0 [tilespmem:s3], [sflag:$0x1], $0x80, $0x38;
	[tilespmem:$0x100] =	vst v63  }
0x1b: {  	_ =	swait.ge @!p0 [sflag:s1], $0x80  }
0x1c: {  	[sflag:s1] =	ssyncset.done @!p0 $0x0  }
0x1d: {  	[sflag:s1] =	ssyncadd.s32 @!p0 $0xFFFFFF80  }
0x1e: {  	_ =	sfence.sel $0x180000  }
0x1f: {  	[bflag:$0x0] =	sbarrier.arrive $0xFFFF  }
0x20: {  	p0 =	sne.s32 s4, $0x0;
	_ =	strace $0x90000047  }
0x21: {  	s0 =	sadd.s32 @!p0 $0x100000, s2;
	[bflag:$0x2] =	sbarrier.arrive $0xFFFF  }
0x22: {  	[sflag:s0] =	ssyncadd.tile.s32 @!p0 $0x1;
	_ =	shalt  }
.Lfunc_end2:
_tile_overlayer_lowered:
.L_overlay_start_2:
0x23: {  	(tag) =	ssettag $0x2  }
0x24: {  	s0 =	rddreg [dreg:$0x0];
	s2 =	stileid.u32  }
0x25: {  	s1 =	rddreg [dreg:$0x1];
	p0 =	sne.s32 s2, $0x0  }
0x26: {  	s3 =	rddreg [dreg:$0x2];
	[bflag:$0x3] =	sbarrier.arrive $0xFFFF;
	s2 =	simm.s32 @!p0 $0x1C01  }
0x27: {  	[timem:s3], [sflag:s2] =	dma.local @!p0 [hbm:s0], s1  }
0x28: {  	s0 =	simm.s32 @!p0 $0x1  }
0x29: {  	_ =	swait.ge @!p0 [sflag:s0], s1  }
0x2a: {  	s1 =	ssub.s32 @!p0 $0x0, s1;
	[sflag:s0] =	ssyncset.done @!p0 $0x0  }
0x2b: {  	[sflag:s0] =	ssyncadd.s32 @!p0 s1  }
0x2c: {  	[bflag:$0x3] =	sbarrier.arrive $0xFFFF  }
0x2d: {  	_ =	shalt  }

</sc_bundles>
